<compile_context>
chip_gen: v7x
topology: tpu7x:2x2x1
jax: 0.10.2.dev20260603
libtpu: 0.0.44.dev20260713+nightly
codegen_flags: <defaults>
</compile_context>

<pallas_src>
import functools

import jax
import jax.numpy as jnp
from jax import lax
from jax.experimental import pallas as pl
from jax.experimental.pallas import tpu as pltpu
from jax.experimental.pallas import tpu_sc as plsc

try:
    _INFO = plsc.get_sparse_core_info()
    _NC = _INFO.num_cores
    _NS = _INFO.num_subcores
except Exception:
    _NC, _NS = 2, 16
_NW = _NC * _NS

_CHUNK = 128
_NBUF = 7


def _make_gather(nb, ns, n_rows, d):
    n_idx = nb * ns
    assert n_idx % (_NW * _CHUNK) == 0
    per_w = n_idx // _NW
    n_chunks = per_w // _CHUNK
    nbuf = min(_NBUF, n_chunks)
    w_per_row = ns // per_w

    mesh = plsc.VectorSubcoreMesh(core_axis_name="c", subcore_axis_name="s")

    @functools.partial(
        pl.kernel,
        mesh=mesh,
        out_type=jax.ShapeDtypeStruct((n_idx, d), jnp.float32),
        scratch_types=(
            [pltpu.VMEM((per_w,), jnp.int32)]
            + [pltpu.VMEM((_CHUNK, d), jnp.float32) for _ in range(nbuf)]
            + [pltpu.SemaphoreType.DMA for _ in range(2 * nbuf)]
        ),
    )
    def gather_kernel(x_hbm, cache_hbm, out_hbm, idx_v, *rest):
        bufs = rest[:nbuf]
        gsem = rest[nbuf:2 * nbuf]
        ssem = rest[2 * nbuf:]
        wid = lax.axis_index("s") * _NC + lax.axis_index("c")
        base = wid * per_w

        brow = lax.div(wid, w_per_row)
        boff = lax.rem(wid, w_per_row) * per_w
        pltpu.sync_copy(x_hbm.at[brow, pl.ds(boff, per_w)], idx_v)

        gathers = [None] * n_chunks
        stores = [None] * n_chunks
        for j in range(min(nbuf, n_chunks)):
            gathers[j] = pltpu.async_copy(
                cache_hbm.at[idx_v.at[pl.ds(j * _CHUNK, _CHUNK)]],
                bufs[j], gsem[j])
        for j in range(n_chunks):
            b = j % nbuf
            gathers[j].wait()
            stores[j] = pltpu.async_copy(
                bufs[b], out_hbm.at[pl.ds(base + j * _CHUNK, _CHUNK)], ssem[b])
            jn = j + nbuf
            if jn < n_chunks:
                stores[j].wait()
                gathers[jn] = pltpu.async_copy(
                    cache_hbm.at[idx_v.at[pl.ds(jn * _CHUNK, _CHUNK)]],
                    bufs[b], gsem[b])
        for j in range(max(0, n_chunks - nbuf), n_chunks):
            if stores[j] is not None:
                stores[j].wait()

    return gather_kernel


def kernel(x, cache):
    b, s = x.shape
    n_rows, d = cache.shape
    out = _make_gather(b, s, n_rows, d)(x, cache)
    return out.reshape(b, s, d)

# --- scband reference (transcript-rebuilt; emitter-appended) ---
"""Pipeline reference for scband-ntkscaled-rotary-moss-37752762532337 (READ-ONLY COPY).

The authoritative reference and input builder live on the scoring server;
editing this copy changes nothing except your own understanding.
"""

import jax, jax.numpy as jnp
import numpy as np

DIM = 128
MAX_POS = 8192
BASE = 10000.0
ROPE_RATIO = 1.0
ALPHA = 1.0
BATCH = 4
SEQ = 8192


def _build_cache(seq_len, dim):
    # base = base * alpha ** (dim / (dim - 2)); alpha = 1 so unchanged, but keep formula faithful
    base = BASE * (ALPHA ** (dim / (dim - 2)))
    inv_freq = 1.0 / (base ** (jnp.arange(0, dim, 2, dtype=jnp.float32) / dim))
    seq_idx = jnp.arange(seq_len, dtype=jnp.float32) / ROPE_RATIO
    idx_theta = jnp.outer(seq_idx, inv_freq).astype(jnp.float32)
    cache = jnp.concatenate([jnp.sin(idx_theta), jnp.cos(idx_theta)], axis=1)
    # module dtype is None (default) -> cache stays float32
    return cache


def setup_inputs(seed: int = 0) -> dict:
    key = jax.random.key(seed)
    x = jax.random.randint(key, (BATCH, SEQ), 0, SEQ, dtype=jnp.int32)
    # cache buffer (built lazily in the torch module's forward; materialized here)
    cache = _build_cache(max(MAX_POS, SEQ), DIM)
    return {"x": x, "cache": cache}


def reference(x, cache):
    # forward: max_seq_len = x.shape[-1]; cache built for max(max_position_embeddings, seq_len);
    # return cache[x] -> gather of rotary sin/cos rows by position id
    return jnp.take(cache, x, axis=0)

if __name__ == "__main__":
    import jax
    _d = setup_inputs()
    print(jax.jit(kernel)(*tuple(_d.values())))

</pallas_src>

<mosaic_0001>
#map = affine_map<(d0, d1) -> (0, 0)>
module attributes {stable_mosaic.version = 14 : i64} {
  func.func @gather_kernel(%arg0: i32, %arg1: i32, %arg2: memref<4x8192xi32, #tpu.memory_space<hbm>>, %arg3: memref<8192x128xf32, #tpu.memory_space<hbm>>, %arg4: memref<32768x128xf32, #tpu.memory_space<hbm>>, %arg5: memref<1024xi32, #tpu.memory_space<vmem>>, %arg6: memref<128x128xf32, #tpu.memory_space<vmem>>, %arg7: memref<128x128xf32, #tpu.memory_space<vmem>>, %arg8: memref<128x128xf32, #tpu.memory_space<vmem>>, %arg9: memref<128x128xf32, #tpu.memory_space<vmem>>, %arg10: memref<128x128xf32, #tpu.memory_space<vmem>>, %arg11: memref<128x128xf32, #tpu.memory_space<vmem>>, %arg12: memref<128x128xf32, #tpu.memory_space<vmem>>, %arg13: memref<!tpu.dma_semaphore, #tpu.memory_space<semaphore_mem>>, %arg14: memref<!tpu.dma_semaphore, #tpu.memory_space<semaphore_mem>>, %arg15: memref<!tpu.dma_semaphore, #tpu.memory_space<semaphore_mem>>, %arg16: memref<!tpu.dma_semaphore, #tpu.memory_space<semaphore_mem>>, %arg17: memref<!tpu.dma_semaphore, #tpu.memory_space<semaphore_mem>>, %arg18: memref<!tpu.dma_semaphore, #tpu.memory_space<semaphore_mem>>, %arg19: memref<!tpu.dma_semaphore, #tpu.memory_space<semaphore_mem>>, %arg20: memref<!tpu.dma_semaphore, #tpu.memory_space<semaphore_mem>>, %arg21: memref<!tpu.dma_semaphore, #tpu.memory_space<semaphore_mem>>, %arg22: memref<!tpu.dma_semaphore, #tpu.memory_space<semaphore_mem>>, %arg23: memref<!tpu.dma_semaphore, #tpu.memory_space<semaphore_mem>>, %arg24: memref<!tpu.dma_semaphore, #tpu.memory_space<semaphore_mem>>, %arg25: memref<!tpu.dma_semaphore, #tpu.memory_space<semaphore_mem>>, %arg26: memref<!tpu.dma_semaphore, #tpu.memory_space<semaphore_mem>>) attributes {dimension_semantics = [#tpu.dimension_semantics<core_parallel>, #tpu.dimension_semantics<subcore_parallel>], iteration_bounds = array<i64: 2, 16>, scalar_prefetch = 0 : i64, scratch_operands = 22 : i64, tpu.core_type = #tpu.core_type<sc_vector_subcore>, window_params = [{transform_indices = #map}, {transform_indices = #map}, {transform_indices = #map}]} {
    %mul3A = arith.constant 2 : i32
    %mul3A_0 = arith.muli %arg1, %mul3A : i32
    %add3A = arith.addi %mul3A_0, %arg0 : i32
    %mul3A_1 = arith.constant 1024 : i32
    %mul3A_2 = arith.muli %add3A, %mul3A_1 : i32
    %div3A = arith.constant 8 : i32
    %div3A_3 = arith.divsi %add3A, %div3A : i32
    %rem3A = arith.constant 8 : i32
    %rem3A_4 = arith.remsi %add3A, %rem3A : i32
    %mul3A_5 = arith.constant 1024 : i32
    %mul3A_6 = arith.muli %rem3A_4, %mul3A_5 : i32
    "tpu.region"() ({
      %run_scoped3A = tpu.sem_alloc : memref<!tpu.dma_semaphore, #tpu.memory_space<semaphore_mem>>
      %dma_start3A_165 = tpu.memref_slice %arg2[%div3A_3, %mul3A_6] : memref<4x8192xi32, #tpu.memory_space<hbm>> -> memref<1x1024xi32, #tpu.memory_space<hbm>>
      %dma_start3A_166 = tpu.memref_squeeze %dma_start3A_165 : memref<1x1024xi32, #tpu.memory_space<hbm>> -> memref<1024xi32, #tpu.memory_space<hbm>>
      %dma_start3A_167 = tpu.memref_slice %arg2[%div3A_3, %mul3A_6] : memref<4x8192xi32, #tpu.memory_space<hbm>> -> memref<1x1024xi32, #tpu.memory_space<hbm>>
      %dma_start3A_168 = tpu.memref_squeeze %dma_start3A_167 : memref<1x1024xi32, #tpu.memory_space<hbm>> -> memref<1024xi32, #tpu.memory_space<hbm>>
      tpu.enqueue_dma source(%dma_start3A_168 : memref<1024xi32, #tpu.memory_space<hbm>>) target(%arg5 : memref<1024xi32, #tpu.memory_space<vmem>>) target_semaphore(%run_scoped3A : memref<!tpu.dma_semaphore, #tpu.memory_space<semaphore_mem>>)
      %dma_wait3A_169 = tpu.memref_slice %arg2[%div3A_3, %mul3A_6] : memref<4x8192xi32, #tpu.memory_space<hbm>> -> memref<1x1024xi32, #tpu.memory_space<hbm>>
      %dma_wait3A_170 = tpu.memref_squeeze %dma_wait3A_169 : memref<1x1024xi32, #tpu.memory_space<hbm>> -> memref<1024xi32, #tpu.memory_space<hbm>>
      %dma_wait3A_171 = tpu.memref_slice %arg2[%div3A_3, %mul3A_6] : memref<4x8192xi32, #tpu.memory_space<hbm>> -> memref<1x1024xi32, #tpu.memory_space<hbm>>
      %dma_wait3A_172 = tpu.memref_squeeze %dma_wait3A_171 : memref<1x1024xi32, #tpu.memory_space<hbm>> -> memref<1024xi32, #tpu.memory_space<hbm>>
      tpu.wait_dma2 semaphore(%run_scoped3A : memref<!tpu.dma_semaphore, #tpu.memory_space<semaphore_mem>>) src(%dma_wait3A_172 : memref<1024xi32, #tpu.memory_space<hbm>>) dst(%arg5 : memref<1024xi32, #tpu.memory_space<vmem>>)
      tpu.yield
    }) : () -> ()
    %dma_start3A = arith.constant 0 : i32
    %dma_start3A_7 = tpu.memref_slice %arg5[%dma_start3A] : memref<1024xi32, #tpu.memory_space<vmem>> -> memref<128xi32, #tpu.memory_space<vmem>>
    %dma_start3A_8 = arith.constant 0 : i32
    %dma_start3A_9 = arith.constant 0 : i32
    %dma_start3A_10 = tpu.memref_slice %arg3[%dma_start3A_8, %dma_start3A_9] : memref<8192x128xf32, #tpu.memory_space<hbm>> -> memref<8192x128xf32, #tpu.memory_space<hbm>>
    tpu.enqueue_indirect_dma source(%dma_start3A_10 : memref<8192x128xf32, #tpu.memory_space<hbm>>) target(%arg6 : memref<128x128xf32, #tpu.memory_space<vmem>>) offsets(%dma_start3A_7 : memref<128xi32, #tpu.memory_space<vmem>>) semaphore(%arg13 : memref<!tpu.dma_semaphore, #tpu.memory_space<semaphore_mem>>)
    %dma_start3A_11 = arith.constant 128 : i32
    %dma_start3A_12 = tpu.memref_slice %arg5[%dma_start3A_11] : memref<1024xi32, #tpu.memory_space<vmem>> -> memref<128xi32, #tpu.memory_space<vmem>>
    %dma_start3A_13 = arith.constant 0 : i32
    %dma_start3A_14 = arith.constant 0 : i32
    %dma_start3A_15 = tpu.memref_slice %arg3[%dma_start3A_13, %dma_start3A_14] : memref<8192x128xf32, #tpu.memory_space<hbm>> -> memref<8192x128xf32, #tpu.memory_space<hbm>>
    tpu.enqueue_indirect_dma source(%dma_start3A_15 : memref<8192x128xf32, #tpu.memory_space<hbm>>) target(%arg7 : memref<128x128xf32, #tpu.memory_space<vmem>>) offsets(%dma_start3A_12 : memref<128xi32, #tpu.memory_space<vmem>>) semaphore(%arg14 : memref<!tpu.dma_semaphore, #tpu.memory_space<semaphore_mem>>)
    %dma_start3A_16 = arith.constant 256 : i32
    %dma_start3A_17 = tpu.memref_slice %arg5[%dma_start3A_16] : memref<1024xi32, #tpu.memory_space<vmem>> -> memref<128xi32, #tpu.memory_space<vmem>>
    %dma_start3A_18 = arith.constant 0 : i32
    %dma_start3A_19 = arith.constant 0 : i32
    %dma_start3A_20 = tpu.memref_slice %arg3[%dma_start3A_18, %dma_start3A_19] : memref<8192x128xf32, #tpu.memory_space<hbm>> -> memref<8192x128xf32, #tpu.memory_space<hbm>>
    tpu.enqueue_indirect_dma source(%dma_start3A_20 : memref<8192x128xf32, #tpu.memory_space<hbm>>) target(%arg8 : memref<128x128xf32, #tpu.memory_space<vmem>>) offsets(%dma_start3A_17 : memref<128xi32, #tpu.memory_space<vmem>>) semaphore(%arg15 : memref<!tpu.dma_semaphore, #tpu.memory_space<semaphore_mem>>)
    %dma_start3A_21 = arith.constant 384 : i32
    %dma_start3A_22 = tpu.memref_slice %arg5[%dma_start3A_21] : memref<1024xi32, #tpu.memory_space<vmem>> -> memref<128xi32, #tpu.memory_space<vmem>>
    %dma_start3A_23 = arith.constant 0 : i32
    %dma_start3A_24 = arith.constant 0 : i32
    %dma_start3A_25 = tpu.memref_slice %arg3[%dma_start3A_23, %dma_start3A_24] : memref<8192x128xf32, #tpu.memory_space<hbm>> -> memref<8192x128xf32, #tpu.memory_space<hbm>>
    tpu.enqueue_indirect_dma source(%dma_start3A_25 : memref<8192x128xf32, #tpu.memory_space<hbm>>) target(%arg9 : memref<128x128xf32, #tpu.memory_space<vmem>>) offsets(%dma_start3A_22 : memref<128xi32, #tpu.memory_space<vmem>>) semaphore(%arg16 : memref<!tpu.dma_semaphore, #tpu.memory_space<semaphore_mem>>)
    %dma_start3A_26 = arith.constant 512 : i32
    %dma_start3A_27 = tpu.memref_slice %arg5[%dma_start3A_26] : memref<1024xi32, #tpu.memory_space<vmem>> -> memref<128xi32, #tpu.memory_space<vmem>>
    %dma_start3A_28 = arith.constant 0 : i32
    %dma_start3A_29 = arith.constant 0 : i32
    %dma_start3A_30 = tpu.memref_slice %arg3[%dma_start3A_28, %dma_start3A_29] : memref<8192x128xf32, #tpu.memory_space<hbm>> -> memref<8192x128xf32, #tpu.memory_space<hbm>>
    tpu.enqueue_indirect_dma source(%dma_start3A_30 : memref<8192x128xf32, #tpu.memory_space<hbm>>) target(%arg10 : memref<128x128xf32, #tpu.memory_space<vmem>>) offsets(%dma_start3A_27 : memref<128xi32, #tpu.memory_space<vmem>>) semaphore(%arg17 : memref<!tpu.dma_semaphore, #tpu.memory_space<semaphore_mem>>)
    %dma_start3A_31 = arith.constant 640 : i32
    %dma_start3A_32 = tpu.memref_slice %arg5[%dma_start3A_31] : memref<1024xi32, #tpu.memory_space<vmem>> -> memref<128xi32, #tpu.memory_space<vmem>>
    %dma_start3A_33 = arith.constant 0 : i32
    %dma_start3A_34 = arith.constant 0 : i32
    %dma_start3A_35 = tpu.memref_slice %arg3[%dma_start3A_33, %dma_start3A_34] : memref<8192x128xf32, #tpu.memory_space<hbm>> -> memref<8192x128xf32, #tpu.memory_space<hbm>>
    tpu.enqueue_indirect_dma source(%dma_start3A_35 : memref<8192x128xf32, #tpu.memory_space<hbm>>) target(%arg11 : memref<128x128xf32, #tpu.memory_space<vmem>>) offsets(%dma_start3A_32 : memref<128xi32, #tpu.memory_space<vmem>>) semaphore(%arg18 : memref<!tpu.dma_semaphore, #tpu.memory_space<semaphore_mem>>)
    %dma_start3A_36 = arith.constant 768 : i32
    %dma_start3A_37 = tpu.memref_slice %arg5[%dma_start3A_36] : memref<1024xi32, #tpu.memory_space<vmem>> -> memref<128xi32, #tpu.memory_space<vmem>>
    %dma_start3A_38 = arith.constant 0 : i32
    %dma_start3A_39 = arith.constant 0 : i32
    %dma_start3A_40 = tpu.memref_slice %arg3[%dma_start3A_38, %dma_start3A_39] : memref<8192x128xf32, #tpu.memory_space<hbm>> -> memref<8192x128xf32, #tpu.memory_space<hbm>>
    tpu.enqueue_indirect_dma source(%dma_start3A_40 : memref<8192x128xf32, #tpu.memory_space<hbm>>) target(%arg12 : memref<128x128xf32, #tpu.memory_space<vmem>>) offsets(%dma_start3A_37 : memref<128xi32, #tpu.memory_space<vmem>>) semaphore(%arg19 : memref<!tpu.dma_semaphore, #tpu.memory_space<semaphore_mem>>)
    %dma_wait3A = arith.constant 0 : i32
    %dma_wait3A_41 = tpu.memref_slice %arg5[%dma_wait3A] : memref<1024xi32, #tpu.memory_space<vmem>> -> memref<128xi32, #tpu.memory_space<vmem>>
    %dma_wait3A_42 = arith.constant 0 : i32
    %dma_wait3A_43 = arith.constant 0 : i32
    %dma_wait3A_44 = tpu.memref_slice %arg3[%dma_wait3A_42, %dma_wait3A_43] : memref<8192x128xf32, #tpu.memory_space<hbm>> -> memref<8192x128xf32, #tpu.memory_space<hbm>>
    tpu.wait_indirect_dma semaphore(%arg13 : memref<!tpu.dma_semaphore, #tpu.memory_space<semaphore_mem>>) src(%dma_wait3A_44 : memref<8192x128xf32, #tpu.memory_space<hbm>>) dst(%arg6 : memref<128x128xf32, #tpu.memory_space<vmem>>)
    %add3A_45 = arith.constant 0 : i32
    %add3A_46 = arith.addi %mul3A_2, %add3A_45 : i32
    %dma_start3A_47 = arith.constant 0 : i32
    %dma_start3A_48 = tpu.memref_slice %arg4[%add3A_46, %dma_start3A_47] : memref<32768x128xf32, #tpu.memory_space<hbm>> -> memref<128x128xf32, #tpu.memory_space<hbm>>
    %dma_start3A_49 = arith.constant 0 : i32
    %dma_start3A_50 = tpu.memref_slice %arg4[%add3A_46, %dma_start3A_49] : memref<32768x128xf32, #tpu.memory_space<hbm>> -> memref<128x128xf32, #tpu.memory_space<hbm>>
    tpu.enqueue_dma source(%arg6 : memref<128x128xf32, #tpu.memory_space<vmem>>) target(%dma_start3A_50 : memref<128x128xf32, #tpu.memory_space<hbm>>) target_semaphore(%arg20 : memref<!tpu.dma_semaphore, #tpu.memory_space<semaphore_mem>>)
    %dma_wait3A_51 = arith.constant 0 : i32
    %dma_wait3A_52 = tpu.memref_slice %arg4[%add3A_46, %dma_wait3A_51] : memref<32768x128xf32, #tpu.memory_space<hbm>> -> memref<128x128xf32, #tpu.memory_space<hbm>>
    %dma_wait3A_53 = arith.constant 0 : i32
    %dma_wait3A_54 = tpu.memref_slice %arg4[%add3A_46, %dma_wait3A_53] : memref<32768x128xf32, #tpu.memory_space<hbm>> -> memref<128x128xf32, #tpu.memory_space<hbm>>
    tpu.wait_dma2 semaphore(%arg20 : memref<!tpu.dma_semaphore, #tpu.memory_space<semaphore_mem>>) src(%arg6 : memref<128x128xf32, #tpu.memory_space<vmem>>) dst(%dma_wait3A_54 : memref<128x128xf32, #tpu.memory_space<hbm>>)
    %dma_start3A_55 = arith.constant 896 : i32
    %dma_start3A_56 = tpu.memref_slice %arg5[%dma_start3A_55] : memref<1024xi32, #tpu.memory_space<vmem>> -> memref<128xi32, #tpu.memory_space<vmem>>
    %dma_start3A_57 = arith.constant 0 : i32
    %dma_start3A_58 = arith.constant 0 : i32
    %dma_start3A_59 = tpu.memref_slice %arg3[%dma_start3A_57, %dma_start3A_58] : memref<8192x128xf32, #tpu.memory_space<hbm>> -> memref<8192x128xf32, #tpu.memory_space<hbm>>
    tpu.enqueue_indirect_dma source(%dma_start3A_59 : memref<8192x128xf32, #tpu.memory_space<hbm>>) target(%arg6 : memref<128x128xf32, #tpu.memory_space<vmem>>) offsets(%dma_start3A_56 : memref<128xi32, #tpu.memory_space<vmem>>) semaphore(%arg13 : memref<!tpu.dma_semaphore, #tpu.memory_space<semaphore_mem>>)
    %dma_wait3A_60 = arith.constant 128 : i32
    %dma_wait3A_61 = tpu.memref_slice %arg5[%dma_wait3A_60] : memref<1024xi32, #tpu.memory_space<vmem>> -> memref<128xi32, #tpu.memory_space<vmem>>
    %dma_wait3A_62 = arith.constant 0 : i32
    %dma_wait3A_63 = arith.constant 0 : i32
    %dma_wait3A_64 = tpu.memref_slice %arg3[%dma_wait3A_62, %dma_wait3A_63] : memref<8192x128xf32, #tpu.memory_space<hbm>> -> memref<8192x128xf32, #tpu.memory_space<hbm>>
    tpu.wait_indirect_dma semaphore(%arg14 : memref<!tpu.dma_semaphore, #tpu.memory_space<semaphore_mem>>) src(%dma_wait3A_64 : memref<8192x128xf32, #tpu.memory_space<hbm>>) dst(%arg7 : memref<128x128xf32, #tpu.memory_space<vmem>>)
    %add3A_65 = arith.constant 128 : i32
    %add3A_66 = arith.addi %mul3A_2, %add3A_65 : i32
    %dma_start3A_67 = arith.constant 0 : i32
    %dma_start3A_68 = tpu.memref_slice %arg4[%add3A_66, %dma_start3A_67] : memref<32768x128xf32, #tpu.memory_space<hbm>> -> memref<128x128xf32, #tpu.memory_space<hbm>>
    %dma_start3A_69 = arith.constant 0 : i32
    %dma_start3A_70 = tpu.memref_slice %arg4[%add3A_66, %dma_start3A_69] : memref<32768x128xf32, #tpu.memory_space<hbm>> -> memref<128x128xf32, #tpu.memory_space<hbm>>
    tpu.enqueue_dma source(%arg7 : memref<128x128xf32, #tpu.memory_space<vmem>>) target(%dma_start3A_70 : memref<128x128xf32, #tpu.memory_space<hbm>>) target_semaphore(%arg21 : memref<!tpu.dma_semaphore, #tpu.memory_space<semaphore_mem>>)
    %dma_wait3A_71 = arith.constant 256 : i32
    %dma_wait3A_72 = tpu.memref_slice %arg5[%dma_wait3A_71] : memref<1024xi32, #tpu.memory_space<vmem>> -> memref<128xi32, #tpu.memory_space<vmem>>
    %dma_wait3A_73 = arith.constant 0 : i32
    %dma_wait3A_74 = arith.constant 0 : i32
    %dma_wait3A_75 = tpu.memref_slice %arg3[%dma_wait3A_73, %dma_wait3A_74] : memref<8192x128xf32, #tpu.memory_space<hbm>> -> memref<8192x128xf32, #tpu.memory_space<hbm>>
    tpu.wait_indirect_dma semaphore(%arg15 : memref<!tpu.dma_semaphore, #tpu.memory_space<semaphore_mem>>) src(%dma_wait3A_75 : memref<8192x128xf32, #tpu.memory_space<hbm>>) dst(%arg8 : memref<128x128xf32, #tpu.memory_space<vmem>>)
    %add3A_76 = arith.constant 256 : i32
    %add3A_77 = arith.addi %mul3A_2, %add3A_76 : i32
    %dma_start3A_78 = arith.constant 0 : i32
    %dma_start3A_79 = tpu.memref_slice %arg4[%add3A_77, %dma_start3A_78] : memref<32768x128xf32, #tpu.memory_space<hbm>> -> memref<128x128xf32, #tpu.memory_space<hbm>>
    %dma_start3A_80 = arith.constant 0 : i32
    %dma_start3A_81 = tpu.memref_slice %arg4[%add3A_77, %dma_start3A_80] : memref<32768x128xf32, #tpu.memory_space<hbm>> -> memref<128x128xf32, #tpu.memory_space<hbm>>
    tpu.enqueue_dma source(%arg8 : memref<128x128xf32, #tpu.memory_space<vmem>>) target(%dma_start3A_81 : memref<128x128xf32, #tpu.memory_space<hbm>>) target_semaphore(%arg22 : memref<!tpu.dma_semaphore, #tpu.memory_space<semaphore_mem>>)
    %dma_wait3A_82 = arith.constant 384 : i32
    %dma_wait3A_83 = tpu.memref_slice %arg5[%dma_wait3A_82] : memref<1024xi32, #tpu.memory_space<vmem>> -> memref<128xi32, #tpu.memory_space<vmem>>
    %dma_wait3A_84 = arith.constant 0 : i32
    %dma_wait3A_85 = arith.constant 0 : i32
    %dma_wait3A_86 = tpu.memref_slice %arg3[%dma_wait3A_84, %dma_wait3A_85] : memref<8192x128xf32, #tpu.memory_space<hbm>> -> memref<8192x128xf32, #tpu.memory_space<hbm>>
    tpu.wait_indirect_dma semaphore(%arg16 : memref<!tpu.dma_semaphore, #tpu.memory_space<semaphore_mem>>) src(%dma_wait3A_86 : memref<8192x128xf32, #tpu.memory_space<hbm>>) dst(%arg9 : memref<128x128xf32, #tpu.memory_space<vmem>>)
    %add3A_87 = arith.constant 384 : i32
    %add3A_88 = arith.addi %mul3A_2, %add3A_87 : i32
    %dma_start3A_89 = arith.constant 0 : i32
    %dma_start3A_90 = tpu.memref_slice %arg4[%add3A_88, %dma_start3A_89] : memref<32768x128xf32, #tpu.memory_space<hbm>> -> memref<128x128xf32, #tpu.memory_space<hbm>>
    %dma_start3A_91 = arith.constant 0 : i32
    %dma_start3A_92 = tpu.memref_slice %arg4[%add3A_88, %dma_start3A_91] : memref<32768x128xf32, #tpu.memory_space<hbm>> -> memref<128x128xf32, #tpu.memory_space<hbm>>
    tpu.enqueue_dma source(%arg9 : memref<128x128xf32, #tpu.memory_space<vmem>>) target(%dma_start3A_92 : memref<128x128xf32, #tpu.memory_space<hbm>>) target_semaphore(%arg23 : memref<!tpu.dma_semaphore, #tpu.memory_space<semaphore_mem>>)
    %dma_wait3A_93 = arith.constant 512 : i32
    %dma_wait3A_94 = tpu.memref_slice %arg5[%dma_wait3A_93] : memref<1024xi32, #tpu.memory_space<vmem>> -> memref<128xi32, #tpu.memory_space<vmem>>
    %dma_wait3A_95 = arith.constant 0 : i32
    %dma_wait3A_96 = arith.constant 0 : i32
    %dma_wait3A_97 = tpu.memref_slice %arg3[%dma_wait3A_95, %dma_wait3A_96] : memref<8192x128xf32, #tpu.memory_space<hbm>> -> memref<8192x128xf32, #tpu.memory_space<hbm>>
    tpu.wait_indirect_dma semaphore(%arg17 : memref<!tpu.dma_semaphore, #tpu.memory_space<semaphore_mem>>) src(%dma_wait3A_97 : memref<8192x128xf32, #tpu.memory_space<hbm>>) dst(%arg10 : memref<128x128xf32, #tpu.memory_space<vmem>>)
    %add3A_98 = arith.constant 512 : i32
    %add3A_99 = arith.addi %mul3A_2, %add3A_98 : i32
    %dma_start3A_100 = arith.constant 0 : i32
    %dma_start3A_101 = tpu.memref_slice %arg4[%add3A_99, %dma_start3A_100] : memref<32768x128xf32, #tpu.memory_space<hbm>> -> memref<128x128xf32, #tpu.memory_space<hbm>>
    %dma_start3A_102 = arith.constant 0 : i32
    %dma_start3A_103 = tpu.memref_slice %arg4[%add3A_99, %dma_start3A_102] : memref<32768x128xf32, #tpu.memory_space<hbm>> -> memref<128x128xf32, #tpu.memory_space<hbm>>
    tpu.enqueue_dma source(%arg10 : memref<128x128xf32, #tpu.memory_space<vmem>>) target(%dma_start3A_103 : memref<128x128xf32, #tpu.memory_space<hbm>>) target_semaphore(%arg24 : memref<!tpu.dma_semaphore, #tpu.memory_space<semaphore_mem>>)
    %dma_wait3A_104 = arith.constant 640 : i32
    %dma_wait3A_105 = tpu.memref_slice %arg5[%dma_wait3A_104] : memref<1024xi32, #tpu.memory_space<vmem>> -> memref<128xi32, #tpu.memory_space<vmem>>
    %dma_wait3A_106 = arith.constant 0 : i32
    %dma_wait3A_107 = arith.constant 0 : i32
    %dma_wait3A_108 = tpu.memref_slice %arg3[%dma_wait3A_106, %dma_wait3A_107] : memref<8192x128xf32, #tpu.memory_space<hbm>> -> memref<8192x128xf32, #tpu.memory_space<hbm>>
    tpu.wait_indirect_dma semaphore(%arg18 : memref<!tpu.dma_semaphore, #tpu.memory_space<semaphore_mem>>) src(%dma_wait3A_108 : memref<8192x128xf32, #tpu.memory_space<hbm>>) dst(%arg11 : memref<128x128xf32, #tpu.memory_space<vmem>>)
    %add3A_109 = arith.constant 640 : i32
    %add3A_110 = arith.addi %mul3A_2, %add3A_109 : i32
    %dma_start3A_111 = arith.constant 0 : i32
    %dma_start3A_112 = tpu.memref_slice %arg4[%add3A_110, %dma_start3A_111] : memref<32768x128xf32, #tpu.memory_space<hbm>> -> memref<128x128xf32, #tpu.memory_space<hbm>>
    %dma_start3A_113 = arith.constant 0 : i32
    %dma_start3A_114 = tpu.memref_slice %arg4[%add3A_110, %dma_start3A_113] : memref<32768x128xf32, #tpu.memory_space<hbm>> -> memref<128x128xf32, #tpu.memory_space<hbm>>
    tpu.enqueue_dma source(%arg11 : memref<128x128xf32, #tpu.memory_space<vmem>>) target(%dma_start3A_114 : memref<128x128xf32, #tpu.memory_space<hbm>>) target_semaphore(%arg25 : memref<!tpu.dma_semaphore, #tpu.memory_space<semaphore_mem>>)
    %dma_wait3A_115 = arith.constant 768 : i32
    %dma_wait3A_116 = tpu.memref_slice %arg5[%dma_wait3A_115] : memref<1024xi32, #tpu.memory_space<vmem>> -> memref<128xi32, #tpu.memory_space<vmem>>
    %dma_wait3A_117 = arith.constant 0 : i32
    %dma_wait3A_118 = arith.constant 0 : i32
    %dma_wait3A_119 = tpu.memref_slice %arg3[%dma_wait3A_117, %dma_wait3A_118] : memref<8192x128xf32, #tpu.memory_space<hbm>> -> memref<8192x128xf32, #tpu.memory_space<hbm>>
    tpu.wait_indirect_dma semaphore(%arg19 : memref<!tpu.dma_semaphore, #tpu.memory_space<semaphore_mem>>) src(%dma_wait3A_119 : memref<8192x128xf32, #tpu.memory_space<hbm>>) dst(%arg12 : memref<128x128xf32, #tpu.memory_space<vmem>>)
    %add3A_120 = arith.constant 768 : i32
    %add3A_121 = arith.addi %mul3A_2, %add3A_120 : i32
    %dma_start3A_122 = arith.constant 0 : i32
    %dma_start3A_123 = tpu.memref_slice %arg4[%add3A_121, %dma_start3A_122] : memref<32768x128xf32, #tpu.memory_space<hbm>> -> memref<128x128xf32, #tpu.memory_space<hbm>>
    %dma_start3A_124 = arith.constant 0 : i32
    %dma_start3A_125 = tpu.memref_slice %arg4[%add3A_121, %dma_start3A_124] : memref<32768x128xf32, #tpu.memory_space<hbm>> -> memref<128x128xf32, #tpu.memory_space<hbm>>
    tpu.enqueue_dma source(%arg12 : memref<128x128xf32, #tpu.memory_space<vmem>>) target(%dma_start3A_125 : memref<128x128xf32, #tpu.memory_space<hbm>>) target_semaphore(%arg26 : memref<!tpu.dma_semaphore, #tpu.memory_space<semaphore_mem>>)
    %dma_wait3A_126 = arith.constant 896 : i32
    %dma_wait3A_127 = tpu.memref_slice %arg5[%dma_wait3A_126] : memref<1024xi32, #tpu.memory_space<vmem>> -> memref<128xi32, #tpu.memory_space<vmem>>
    %dma_wait3A_128 = arith.constant 0 : i32
    %dma_wait3A_129 = arith.constant 0 : i32
    %dma_wait3A_130 = tpu.memref_slice %arg3[%dma_wait3A_128, %dma_wait3A_129] : memref<8192x128xf32, #tpu.memory_space<hbm>> -> memref<8192x128xf32, #tpu.memory_space<hbm>>
    tpu.wait_indirect_dma semaphore(%arg13 : memref<!tpu.dma_semaphore, #tpu.memory_space<semaphore_mem>>) src(%dma_wait3A_130 : memref<8192x128xf32, #tpu.memory_space<hbm>>) dst(%arg6 : memref<128x128xf32, #tpu.memory_space<vmem>>)
    %add3A_131 = arith.constant 896 : i32
    %add3A_132 = arith.addi %mul3A_2, %add3A_131 : i32
    %dma_start3A_133 = arith.constant 0 : i32
    %dma_start3A_134 = tpu.memref_slice %arg4[%add3A_132, %dma_start3A_133] : memref<32768x128xf32, #tpu.memory_space<hbm>> -> memref<128x128xf32, #tpu.memory_space<hbm>>
    %dma_start3A_135 = arith.constant 0 : i32
    %dma_start3A_136 = tpu.memref_slice %arg4[%add3A_132, %dma_start3A_135] : memref<32768x128xf32, #tpu.memory_space<hbm>> -> memref<128x128xf32, #tpu.memory_space<hbm>>
    tpu.enqueue_dma source(%arg6 : memref<128x128xf32, #tpu.memory_space<vmem>>) target(%dma_start3A_136 : memref<128x128xf32, #tpu.memory_space<hbm>>) target_semaphore(%arg20 : memref<!tpu.dma_semaphore, #tpu.memory_space<semaphore_mem>>)
    %dma_wait3A_137 = arith.constant 0 : i32
    %dma_wait3A_138 = tpu.memref_slice %arg4[%add3A_66, %dma_wait3A_137] : memref<32768x128xf32, #tpu.memory_space<hbm>> -> memref<128x128xf32, #tpu.memory_space<hbm>>
    %dma_wait3A_139 = arith.constant 0 : i32
    %dma_wait3A_140 = tpu.memref_slice %arg4[%add3A_66, %dma_wait3A_139] : memref<32768x128xf32, #tpu.memory_space<hbm>> -> memref<128x128xf32, #tpu.memory_space<hbm>>
    tpu.wait_dma2 semaphore(%arg21 : memref<!tpu.dma_semaphore, #tpu.memory_space<semaphore_mem>>) src(%arg7 : memref<128x128xf32, #tpu.memory_space<vmem>>) dst(%dma_wait3A_140 : memref<128x128xf32, #tpu.memory_space<hbm>>)
    %dma_wait3A_141 = arith.constant 0 : i32
    %dma_wait3A_142 = tpu.memref_slice %arg4[%add3A_77, %dma_wait3A_141] : memref<32768x128xf32, #tpu.memory_space<hbm>> -> memref<128x128xf32, #tpu.memory_space<hbm>>
    %dma_wait3A_143 = arith.constant 0 : i32
    %dma_wait3A_144 = tpu.memref_slice %arg4[%add3A_77, %dma_wait3A_143] : memref<32768x128xf32, #tpu.memory_space<hbm>> -> memref<128x128xf32, #tpu.memory_space<hbm>>
    tpu.wait_dma2 semaphore(%arg22 : memref<!tpu.dma_semaphore, #tpu.memory_space<semaphore_mem>>) src(%arg8 : memref<128x128xf32, #tpu.memory_space<vmem>>) dst(%dma_wait3A_144 : memref<128x128xf32, #tpu.memory_space<hbm>>)
    %dma_wait3A_145 = arith.constant 0 : i32
    %dma_wait3A_146 = tpu.memref_slice %arg4[%add3A_88, %dma_wait3A_145] : memref<32768x128xf32, #tpu.memory_space<hbm>> -> memref<128x128xf32, #tpu.memory_space<hbm>>
    %dma_wait3A_147 = arith.constant 0 : i32
    %dma_wait3A_148 = tpu.memref_slice %arg4[%add3A_88, %dma_wait3A_147] : memref<32768x128xf32, #tpu.memory_space<hbm>> -> memref<128x128xf32, #tpu.memory_space<hbm>>
    tpu.wait_dma2 semaphore(%arg23 : memref<!tpu.dma_semaphore, #tpu.memory_space<semaphore_mem>>) src(%arg9 : memref<128x128xf32, #tpu.memory_space<vmem>>) dst(%dma_wait3A_148 : memref<128x128xf32, #tpu.memory_space<hbm>>)
    %dma_wait3A_149 = arith.constant 0 : i32
    %dma_wait3A_150 = tpu.memref_slice %arg4[%add3A_99, %dma_wait3A_149] : memref<32768x128xf32, #tpu.memory_space<hbm>> -> memref<128x128xf32, #tpu.memory_space<hbm>>
    %dma_wait3A_151 = arith.constant 0 : i32
    %dma_wait3A_152 = tpu.memref_slice %arg4[%add3A_99, %dma_wait3A_151] : memref<32768x128xf32, #tpu.memory_space<hbm>> -> memref<128x128xf32, #tpu.memory_space<hbm>>
    tpu.wait_dma2 semaphore(%arg24 : memref<!tpu.dma_semaphore, #tpu.memory_space<semaphore_mem>>) src(%arg10 : memref<128x128xf32, #tpu.memory_space<vmem>>) dst(%dma_wait3A_152 : memref<128x128xf32, #tpu.memory_space<hbm>>)
    %dma_wait3A_153 = arith.constant 0 : i32
    %dma_wait3A_154 = tpu.memref_slice %arg4[%add3A_110, %dma_wait3A_153] : memref<32768x128xf32, #tpu.memory_space<hbm>> -> memref<128x128xf32, #tpu.memory_space<hbm>>
    %dma_wait3A_155 = arith.constant 0 : i32
    %dma_wait3A_156 = tpu.memref_slice %arg4[%add3A_110, %dma_wait3A_155] : memref<32768x128xf32, #tpu.memory_space<hbm>> -> memref<128x128xf32, #tpu.memory_space<hbm>>
    tpu.wait_dma2 semaphore(%arg25 : memref<!tpu.dma_semaphore, #tpu.memory_space<semaphore_mem>>) src(%arg11 : memref<128x128xf32, #tpu.memory_space<vmem>>) dst(%dma_wait3A_156 : memref<128x128xf32, #tpu.memory_space<hbm>>)
    %dma_wait3A_157 = arith.constant 0 : i32
    %dma_wait3A_158 = tpu.memref_slice %arg4[%add3A_121, %dma_wait3A_157] : memref<32768x128xf32, #tpu.memory_space<hbm>> -> memref<128x128xf32, #tpu.memory_space<hbm>>
    %dma_wait3A_159 = arith.constant 0 : i32
    %dma_wait3A_160 = tpu.memref_slice %arg4[%add3A_121, %dma_wait3A_159] : memref<32768x128xf32, #tpu.memory_space<hbm>> -> memref<128x128xf32, #tpu.memory_space<hbm>>
    tpu.wait_dma2 semaphore(%arg26 : memref<!tpu.dma_semaphore, #tpu.memory_space<semaphore_mem>>) src(%arg12 : memref<128x128xf32, #tpu.memory_space<vmem>>) dst(%dma_wait3A_160 : memref<128x128xf32, #tpu.memory_space<hbm>>)
    %dma_wait3A_161 = arith.constant 0 : i32
    %dma_wait3A_162 = tpu.memref_slice %arg4[%add3A_132, %dma_wait3A_161] : memref<32768x128xf32, #tpu.memory_space<hbm>> -> memref<128x128xf32, #tpu.memory_space<hbm>>
    %dma_wait3A_163 = arith.constant 0 : i32
    %dma_wait3A_164 = tpu.memref_slice %arg4[%add3A_132, %dma_wait3A_163] : memref<32768x128xf32, #tpu.memory_space<hbm>> -> memref<128x128xf32, #tpu.memory_space<hbm>>
    tpu.wait_dma2 semaphore(%arg20 : memref<!tpu.dma_semaphore, #tpu.memory_space<semaphore_mem>>) src(%arg6 : memref<128x128xf32, #tpu.memory_space<vmem>>) dst(%dma_wait3A_164 : memref<128x128xf32, #tpu.memory_space<hbm>>)
    return
  }
}

</mosaic_0001>

<sc_bundles>
// kernel: kernel.3.cloned.1.call-start
scs
__scs_entry_jumppad:
0x0: {  	(pc) =	sbr.rel $0x88, $3  }
0x1: {  	(tag) =	ssettag $0x0;
	lr =	simm.s32 $0x1  }
0x2: {  	[smem:$0x3F9F] =	sst lr;
	_ =	strace $0xD0000000  }
0x3: {  	_ = 	snop  }
0x4: {  	_ = 	snop  }
0x5: {  	_ = 	snop  }
0x6: {  	_ = 	snop  }
0x7: {  	_ = 	snop  }
__scs_overlays_trampoline_lowered:
0x8: {  	[smem:$0x3FAE] =	sst s0  }
0x9: {  	[smem:$0x3FAF] =	sst s1  }
0xa: {  	[smem:$0x3FB0] =	sst s2  }
0xb: {  	[smem:$0x3FB1] =	sst s3  }
0xc: {  	[smem:$0x3FB2] =	sst s4  }
0xd: {  	[smem:$0x3FB3] =	sst s5  }
0xe: {  	[smem:$0x3FB4] =	sst s6  }
0xf: {  	[smem:$0x3FB5] =	sst s7  }
0x10: {  	[smem:$0x3FB6] =	sst s8  }
0x11: {  	[smem:$0x3FB7] =	sst s9;
	s0 =	simm.s32 @!p0 $0x0  }
0x12: {  	s1 =	sld [smem:$0x3F9D];
	s0 =	simm.s32 @p0 $0x1  }
0x13: {  	[smem:$0x3FB8] =	sst s0;
	s0 =	simm.s32 @!p1 $0x0  }
0x14: {  	s2 =	sld [smem:$0x3F9C];
	s0 =	simm.s32 @p1 $0x1  }
0x15: {  	[smem:$0x3FB9] =	sst s0;
	s0 =	simm.s32 @!p2 $0x0  }
0x16: {  	s3 =	sld [smem:$0x3FDB];
	s0 =	simm.s32 @p2 $0x1  }
0x17: {  	s4 =	simm.s32 $0x1BF5;
	[smem:$0x3FBB] =	sst s0  }
0x18: {  	s0 =	sld [smem:$0x3F9E];
	_ =	swait.ge [sflag:s4], $0x0  }
0x19: {  	s7 =	sld [smem:$0x3F9F]  }
0x1a: {  	s8 =	sadd.s32 $0xFFFFE003, lr  }
0x1b: {  	s9 =	sadd.s32 $0xFFFFFEF7, lr;
	s5 =	simm.s32 $0xFFFFFFFF;
	p2 =	slt.u32 s8, $0xFFFFF086  }
0x1c: {  	p1 =	slt.u32 s9, $0xF7A;
	s5 =	simm.s32 @!p2 $0x0  }
0x1d: {  	s5 =	simm.s32 @p1 $0x1;
	p0 =	seq.s32 s7, s2  }
0x1e: {  	s7 =	smul.u32 @!p0 $0xF7A, s2;
	p2 =	seq.s32 @!p0 s5, $0x0  }
0x1f: {  	s9 =	smul.u32 $0xF7A, s1;
	s8 =	simm.s32 @!p0 $0x1BF5;
	p2 =	por !p2, p0  }
0x20: {  	[sflag:s8] =	ssyncset.s32 @!p0 $0xFFFFF086;
	s6 =	sadd.s32 @!p0 s3, s7;
	s7 =	simm.s32 @!p0 $0x108  }
0x21: {  	s3 =	sadd.s32 s3, s9;
	s6 =	sadd.s32 @!p0 $0x88, s6;
	s7 =	simm.s32 @p2 $0x1082  }
0x22: {  	[simem:s7], [sflag:s8] =	dma.local @!p0 [hbm:s6], $0xF7A  }
0x23: {  	s9 =	sor.u32 $0xD0000000, s2;
	s6 =	simm.s32 $0x108;
	_ =	swait.ge @!p0 [sflag:s8], $0x0  }
0x24: {  	s3 =	sadd.s32 $0x88, s3;
	s6 =	simm.s32 @!p1 $0x1082;
	[sflag:s4] =	ssyncset.s32 $0xFFFFF086  }
0x25: {  	[simem:s6], [sflag:s4] =	dma.local [hbm:s3], $0xF7A  }
0x26: {  	[smem:$0x3F9F] =	sst s1;
	(tag) =	ssettag s2;
	_ =	strace s9  }
0x27: {  	s1 =	sld [smem:$0x3FAF]  }
0x28: {  	s2 =	sld [smem:$0x3FB0]  }
0x29: {  	s4 =	sld [smem:$0x3FB2]  }
0x2a: {  	p0 =	seq.s32 s5, $0x0;
	s5 =	sld [smem:$0x3FB3]  }
0x2b: {  	s6 =	sld [smem:$0x3FB4]  }
0x2c: {  	s7 =	sld [smem:$0x3FB5]  }
0x2d: {  	s3 =	simm.s32 $0x108;
	s8 =	sld [smem:$0x3FB6]  }
0x2e: {  	s3 =	simm.s32 @!p0 $0x1082;
	s9 =	sld [smem:$0x3FB7]  }
0x2f: {  	lr =	sadd.s32 s0, s3;
	s0 =	sld [smem:$0x3FAE]  }
0x30: {  	s3 =	sld [smem:$0x3FB1]  }
0x31: {  	[smem:$0x3FBA] =	sst s10  }
0x32: {  	s10 =	sld [smem:$0x3FB8];
	_ =	sdelay $0x3  }
0x33: {  	p0 =	seq.s32 s10, $0x1;
	s10 =	sld [smem:$0x3FBA];
	_ =	sdelay $0x3  }
0x34: {  	[smem:$0x3FBA] =	sst s10  }
0x35: {  	s10 =	sld [smem:$0x3FB9];
	_ =	sdelay $0x3  }
0x36: {  	p1 =	seq.s32 s10, $0x1;
	s10 =	sld [smem:$0x3FBA];
	_ =	sdelay $0x3  }
0x37: {  	[smem:$0x3FBA] =	sst s10  }
0x38: {  	s10 =	sld [smem:$0x3FBB]  }
0x39: {  	_ = 	snop;
	(pc) =	sbr.ind lr, $3  }
0x3a: {  	_ = 	snop  }
0x3b: {  	_ = 	snop  }
0x3c: {  	p2 =	seq.s32 s10, $0x1;
	s10 =	sld [smem:$0x3FBA]  }
0x3d: {  	_ =	shalt  }
0x3e: {  	_ =	shalt  }
0x3f: {  	_ =	shalt  }
0x40: {  	_ =	shalt  }
0x41: {  	_ =	shalt  }
0x42: {  	_ =	shalt  }
0x43: {  	_ =	shalt  }
0x44: {  	_ =	shalt  }
0x45: {  	_ =	shalt  }
0x46: {  	_ =	shalt  }
0x47: {  	_ =	shalt  }
0x48: {  	_ =	shalt  }
0x49: {  	_ =	shalt  }
0x4a: {  	_ =	shalt  }
0x4b: {  	_ =	shalt  }
0x4c: {  	_ =	shalt  }
0x4d: {  	_ =	shalt  }
0x4e: {  	_ =	shalt  }
0x4f: {  	_ =	shalt  }
0x50: {  	_ =	shalt  }
0x51: {  	_ =	shalt  }
0x52: {  	_ =	shalt  }
0x53: {  	_ =	shalt  }
0x54: {  	_ =	shalt  }
0x55: {  	_ =	shalt  }
0x56: {  	_ =	shalt  }
0x57: {  	_ =	shalt  }
0x58: {  	_ =	shalt  }
0x59: {  	_ =	shalt  }
0x5a: {  	_ =	shalt  }
0x5b: {  	_ =	shalt  }
0x5c: {  	_ =	shalt  }
0x5d: {  	_ =	shalt  }
0x5e: {  	_ =	shalt  }
0x5f: {  	_ =	shalt  }
0x60: {  	_ =	shalt  }
0x61: {  	_ =	shalt  }
0x62: {  	_ =	shalt  }
0x63: {  	_ =	shalt  }
0x64: {  	_ =	shalt  }
0x65: {  	_ =	shalt  }
0x66: {  	_ =	shalt  }
0x67: {  	_ =	shalt  }
0x68: {  	_ =	shalt  }
0x69: {  	_ =	shalt  }
0x6a: {  	_ =	shalt  }
0x6b: {  	_ =	shalt  }
0x6c: {  	_ =	shalt  }
0x6d: {  	_ =	shalt  }
0x6e: {  	_ =	shalt  }
0x6f: {  	_ =	shalt  }
0x70: {  	_ =	shalt  }
0x71: {  	_ =	shalt  }
0x72: {  	_ =	shalt  }
0x73: {  	_ =	shalt  }
0x74: {  	_ =	shalt  }
0x75: {  	_ =	shalt  }
0x76: {  	_ =	shalt  }
0x77: {  	_ =	shalt  }
0x78: {  	_ =	shalt  }
0x79: {  	_ =	shalt  }
0x7a: {  	_ =	shalt  }
0x7b: {  	_ =	shalt  }
0x7c: {  	_ =	shalt  }
0x7d: {  	_ =	shalt  }
0x7e: {  	_ =	shalt  }
0x7f: {  	_ =	shalt  }
0x80: {  	_ =	shalt  }
0x81: {  	_ =	shalt  }
0x82: {  	_ =	shalt  }
0x83: {  	_ =	shalt  }
0x84: {  	_ =	shalt  }
0x85: {  	_ =	shalt  }
0x86: {  	_ =	shalt  }
0x87: {  	_ =	shalt  }
.Lfunc_end0:
.L_simem_size_0:
called_computation_lowered:
.L_overlay_start_0:
0x88: {  	s2 =	sld [smem:$0x3FD9]  }
0x89: {  	s3 =	sld [smem:$0x3FFE];
	_ =	sdelay $0x1  }
0x8a: {  	s1 =	srdreg.scid  }
0x8b: {  	s0 =	sand.u32 $0x1, s1  }
0x8c: {  	s18 =	sshll.u32 s0, $0xA;
	s2 =	sadd.s32 s3, s2  }
0x8d: {  	s2 =	sadd.s32 s2, s18  }
0x8e: {  	[smem:$0x3FC6] =	sst s2  }
0x8f: {  	_ = 	snop  }
0x90: {  	s2 =	sld [smem:$0x3FC9]  }
0x91: {  	s19 =	sld [smem:$0x3FC8]  }
0x92: {  	s4 =	sld [smem:$0x3FD0];
	(tm) =	ssettm $0x1  }
0x93: {  	s5 =	sld [smem:$0x3FFB];
	_ =	sdelay $0x3  }
0x94: {  	_ =	strace s5  }
0x95: {  	s5 =	sld [smem:$0x3FFC];
	_ =	sdelay $0x3  }
0x96: {  	_ =	strace s5  }
0x97: {  	s5 =	sld [smem:$0x3FFD];
	_ =	sdelay $0x3  }
0x98: {  	_ =	strace s5  }
0x99: {  	_ =	strace $0x8FFFFFFF  }
0x9a: {  	s20 =	sld [smem:$0x3FDB];
	_ =	sdelay $0x1  }
0x9b: {  	s6 =	simm.s32 $_scs_section_size  }
0x9c: {  	s7 =	simm.s32 $_size__tile_overlayer_lowered;
	s8 =	simm.s32 $_tile_overlayer_lowered  }
0x9d: {  	s23 =	simm.s32 $0x1BFF;
	s22 =	sshll.u32 s8, $0x1;
	s5 =	sadd.s32 s6, s20  }
0x9e: {  	s9 =	simm.s32 $0x0;
	s21 =	sshll.u32 s7, $0x1;
	s7 =	sadd.s32 s22, s5  }
0x9f: {  	[timem:s9], [sflag:s23] =	dma.local [hbm:s7], s21  }
0xa0: {  	_ =	swait.ge [sflag:s23], s21  }
0xa1: {  	s6 =	ssub.s32 $0x0, s21;
	[sflag:s23] =	ssyncset.done $0x0  }
0xa2: {  	[sflag:s23] =	ssyncadd.s32 s6;
	_ =	sdelay $0x1  }
0xa3: {  	s24 =	simm.s32 $0x1B8B  }
0xa4: {  	_ =	swait.ge [sflag:s24], $0x1  }
0xa5: {  	[sflag:s24] =	ssyncset.done $0x0  }
0xa6: {  	s25 =	simm.s32 $0x1B8E;
	[sflag:s24] =	ssyncadd.s32 $0xFFFFFFFF  }
0xa7: {  	s26 =	simm.s32 $execute0_lowered;
	[smem:$0x3FD2] =	sst s25  }
0xa8: {  	s6 =	sshll.u32 s26, $0x1;
	_ =	strace $0x80000046;
	[dreg:$0x1] =	wrdreg $0xFFFFFFFF  }
0xa9: {  	s28 =	simm.s32 $_size_execute0_lowered;
	s5 =	sadd.s32 s5, s6;
	[dreg:$0x0] =	wrdreg $0x0  }
0xaa: {  	s6 =	sshll.u32 s28, $0x1;
	[dreg:$0x2] =	wrdreg s5  }
0xab: {  	[dreg:$0x3] =	wrdreg s6  }
0xac: {  	[dreg:$0x4] =	wrdreg $0xC0  }
0xad: {  	_ =	task [dreg:s9], $0x5FFFF  }
0xae: {  	[dreg:$0x1] =	wrdreg $0xFFFFFFFF  }
0xaf: {  	[dreg:$0x0] =	wrdreg $0x60  }
0xb0: {  	[dreg:$0x2] =	wrdreg s2  }
0xb1: {  	[dreg:$0x3] =	wrdreg s19  }
0xb2: {  	[dreg:$0x4] =	wrdreg s4  }
0xb3: {  	[dreg:$0x5] =	wrdreg $0x9  }
0xb4: {  	_ =	task.clear_ibuf [dreg:s9], $0x6FFFF;
	_ =	strace $0x90000046  }
0xb5: {  	s29 =	simm.s32 $0x9;
	_ =	strace $0x80000048  }
0xb6: {  	_ =	swait.ge [sflag:s29], $0x1  }
0xb7: {  	[sflag:s29] =	ssyncadd.s32 $0xFFFFFFFF  }
0xb8: {  	_ =	strace $0x90000048  }
0xb9: {  	_ =	sfence  }
0xba: {  	s30 =	sld [smem:$0x0];
	_ =	sdelay $0x2  }
0xbb: {  	s31 =	sshll.u32 s1, $0xD;
	s1 =	sshrl.u32 s1, $0x2  }
0xbc: {  	s3 =	sand.u32 $0x4000, s31;
	s1 =	sadd.s32 s1, s30  }
0xbd: {  	s0 =	sor.u32 s3, s0;
	s1 =	sshll.u32 s1, $0x11  }
0xbe: {  	s0 =	sor.u32 s1, s0  }
0xbf: {  	s0 =	sadd.s32 $0x8F2B, s0  }
0xc0: {  	[sflag:s0] =	ssyncadd.remote.s32 $0x1  }
0xc1: {  	_ =	sfence.sel $0xFFFF  }
0xc2: {  	[dreg:$0x0] =	wrdreg $0xFFFFFFFF;
	(pc) =	sbr.abs _section_cstart, $3  }
0xc3: {  	[dreg:$0x1] =	wrdreg $0xFFFFFFFF  }
0xc4: {  	_ =	task.clear_ibuf [dreg:s9], $0x2FFFF;
	_ =	strace $0x9FFFFFFF  }
0xc5: {  	(tm) =	ssettm $0x7FFFFFFF  }
tec
execute0_lowered:
.L_overlay_start_1:
0x0: {  	(tag) =	ssettag $0x1  }
0x1: {  	s0 =	rddreg [dreg:$0x0]  }
0x2: {  	s3 =	rddreg [dreg:$0x1]  }
0x3: {  	s1 =	rddreg [dreg:$0x2];
	s2 =	srdreg.scid  }
0x4: {  	s6 =	stileid.u32;
	s29 =	rddreg [dreg:$0x3]  }
0x5: {  	s21 =	simm.s32 $0x80;
	s25 =	simm.s32 $0x200;
	s30 =	simm.s32 $0xF  }
0x6: {  	s20 =	simm.s32 $0x4400;
	s23 =	simm.s32 $0x100;
	s19 =	simm.s32 $0x8400  }
0x7: {  	s24 =	simm.s32 $0x180;
	s17 =	simm.s32 $0xC400;
	s26 =	simm.s32 $0x280  }
0x8: {  	s16 =	simm.s32 $0x10400;
	s31 =	simm.s32 $0x380;
	s28 =	simm.s32 $0x2  }
0x9: {  	s22 =	simm.s32 $0x6;
	s18 =	simm.s32 $0x7;
	p0 =	por $0x0, $0x0  }
0xa: {  	s4 =	sand.u32 $0x1, s2;
	s5 =	sshll.u32 s6, $0x1;
	s2 =	simm.s32 $0x0  }
0xb: {  	s6 =	sshll.u32 s6, $0x2;
	s5 =	sor.u32 s4, s5;
	[smem:$0x7FF] =	sst s2  }
0xc: {  	s6 =	sand.u32 $0x30, s6;
	s11 =	ssub.s32 $0x2, s4;
	s7 =	sshll.u32 s5, $0x9  }
0xd: {  	s0 =	sadd.s32 s0, s6;
	_ =	strace $0x80000047;
	[dreg:$0xc] =	wrdreg s23  }
0xe: {  	s5 =	sshll.u32 s5, $0xE;
	s4 =	sshrl.u32 s11, $0x1;
	[dreg:$0xd] =	wrdreg s24  }
0xf: {  	[dreg:$0xe] =	wrdreg s26;
	s26 =	simm.s32 $0x3;
	s7 =	sand.u32 $0xE00, s7  }
0x10: {  	s24 =	simm.s32 $0x4;
	s9 =	sadd.s32 s1, s5;
	s0 =	sadd.s32 s7, s0  }
0x11: {  	s23 =	simm.s32 $0x5;
	s6 =	sadd.s32 $0x800, s9;
	[dreg:$0x4] =	wrdreg s0  }
0x12: {  	s1 =	ssub.s32 s11, s4;
	s7 =	sadd.s32 $0x1000, s9;
	[dreg:$0x5] =	wrdreg s6  }
0x13: {  	s5 =	simm.s32 $0x400;
	s8 =	sadd.s32 $0x1800, s9;
	[dreg:$0x6] =	wrdreg s7  }
0x14: {  	s11 =	simm.s32 $0x18400;
	s10 =	sadd.s32 $0x2000, s9;
	[dreg:$0x7] =	wrdreg s8  }
0x15: {  	s12 =	sadd.s32 $0x2800, s9;
	s15 =	smax.u32 s1, $0x1;
	[dreg:$0x8] =	wrdreg s10  }
0x16: {  	s13 =	sadd.s32 $0x3000, s9;
	[dreg:$0x9] =	wrdreg s12;
	p1 =	sne.s32 s15, $0x1  }
.Ltmp0:
0x17: {  	s14 =	sadd.s32 $0x3800, s9;
	[dreg:$0xa] =	wrdreg s13;
	(pc) =	sbr.rel @!p1 .LBB2_1-.Ltmp0, $4  }
0x18: {  	s4 =	simm.s32 $0x8;
	[dreg:$0xb] =	wrdreg s14;
	s13 =	simm.s32 $0x14400  }
0x19: {  	s7 =	simm.s32 $0x1;
	s0 =	sadd.s32 $0xFFFFFFFF, s15;
	s15 =	simm.s32 $0x9  }
0x1a: {  	s14 =	simm.s32 $0xA;
	s12 =	simm.s32 $0xB;
	s10 =	simm.s32 $0xC  }
0x1b: {  	s8 =	simm.s32 $0xD;
	s6 =	simm.s32 $0xE;
	s1 =	rddreg [dreg:$0x4]  }
0x1c: {  	[tilespmem:s2], [sflag:$0xF] =	stream.strided.gather [hbm4b:s1+s21], $0x400, s25, s21, $0x38;
	[tilespmem:$0x1C400] =	vst v63  }
0x1d: {  	_ =	swait.ge [sflag:s30], $0x400  }
0x1e: {  	[sflag:s30] =	ssyncset.done $0x0  }
0x1f: {  	[sflag:s30] =	ssyncadd.s32 $0xFFFFFC00  }
0x20: {  	[tilespmem:s5], [sflag:$0x1] =	stream.indirect.gather [hbm4b:s3+s21], $0x80, s2, s21, $0xb8;
	[tilespmem:$0x1C400] =	vst v63  }
0x21: {  	_ = 	snop  }
0x22: {  	[tilespmem:s20], [sflag:$0x2] =	stream.indirect.gather [hbm4b:s3+s21], $0x80, s21, s21, $0xb8;
	[tilespmem:$0x1C400] =	vst v63  }
0x23: {  	s1 =	rddreg [dreg:$0xc]  }
0x24: {  	[tilespmem:s19], [sflag:$0x3] =	stream.indirect.gather [hbm4b:s3+s21], $0x80, s1, s21, $0xb8;
	[tilespmem:$0x1C400] =	vst v63  }
0x25: {  	s29 =	smov.u32 s0;
	s0 =	rddreg [dreg:$0xd]  }
0x26: {  	[tilespmem:s17], [sflag:$0x4] =	stream.indirect.gather [hbm4b:s3+s21], $0x80, s0, s21, $0xb8;
	[tilespmem:$0x1C400] =	vst v63  }
0x27: {  	_ = 	snop  }
0x28: {  	[tilespmem:s16], [sflag:$0x5] =	stream.indirect.gather [hbm4b:s3+s21], $0x80, s25, s21, $0xb8;
	[tilespmem:$0x1C400] =	vst v63  }
0x29: {  	s1 =	rddreg [dreg:$0xe]  }
0x2a: {  	[tilespmem:s13], [sflag:$0x6] =	stream.indirect.gather [hbm4b:s3+s21], $0x80, s1, s21, $0xb8;
	[tilespmem:$0x1C400] =	vst v63  }
0x2b: {  	s1 =	simm.s32 $0x300  }
0x2c: {  	[tilespmem:s11], [sflag:$0x7] =	stream.indirect.gather [hbm4b:s3+s21], $0x80, s1, s21, $0xb8;
	[tilespmem:$0x1C400] =	vst v63  }
0x2d: {  	_ =	swait.ge [sflag:s7], $0x4000  }
0x2e: {  	[sflag:s7] =	ssyncset.done $0x0  }
0x2f: {  	[sflag:s7] =	ssyncadd.s32 $0xFFFFC000  }
0x30: {  	[hbm4b:s9+s2] =	stream.linear.scatter [tilespmem:s5], [sflag:$0x8], $0x4000, $0x38;
	[tilespmem:$0x1C400] =	vst v63  }
0x31: {  	_ =	swait.ge [sflag:s4], $0x4000  }
0x32: {  	[sflag:s4] =	ssyncset.done $0x0  }
0x33: {  	[sflag:s4] =	ssyncadd.s32 $0xFFFFC000  }
0x34: {  	[tilespmem:s5], [sflag:$0x1] =	stream.indirect.gather [hbm4b:s3+s21], $0x80, s31, s21, $0xb8;
	[tilespmem:$0x1C400] =	vst v63  }
0x35: {  	_ =	swait.ge [sflag:s28], $0x4000  }
0x36: {  	[sflag:s28] =	ssyncset.done $0x0  }
0x37: {  	s1 =	rddreg [dreg:$0x5];
	[sflag:s28] =	ssyncadd.s32 $0xFFFFC000  }
0x38: {  	[hbm4b:s1+s2] =	stream.linear.scatter [tilespmem:s20], [sflag:$0x9], $0x4000, $0x38;
	[tilespmem:$0x1C400] =	vst v63  }
0x39: {  	_ =	swait.ge [sflag:s26], $0x4000  }
0x3a: {  	[sflag:s26] =	ssyncset.done $0x0  }
0x3b: {  	s1 =	rddreg [dreg:$0x6];
	[sflag:s26] =	ssyncadd.s32 $0xFFFFC000  }
0x3c: {  	[hbm4b:s1+s2] =	stream.linear.scatter [tilespmem:s19], [sflag:$0xA], $0x4000, $0x38;
	[tilespmem:$0x1C400] =	vst v63  }
0x3d: {  	_ =	swait.ge [sflag:s24], $0x4000  }
0x3e: {  	[sflag:s24] =	ssyncset.done $0x0  }
0x3f: {  	s1 =	rddreg [dreg:$0x7];
	[sflag:s24] =	ssyncadd.s32 $0xFFFFC000  }
0x40: {  	[hbm4b:s1+s2] =	stream.linear.scatter [tilespmem:s17], [sflag:$0xB], $0x4000, $0x38;
	[tilespmem:$0x1C400] =	vst v63  }
0x41: {  	_ =	swait.ge [sflag:s23], $0x4000  }
0x42: {  	[sflag:s23] =	ssyncset.done $0x0  }
0x43: {  	s1 =	rddreg [dreg:$0x8];
	[sflag:s23] =	ssyncadd.s32 $0xFFFFC000  }
0x44: {  	[hbm4b:s1+s2] =	stream.linear.scatter [tilespmem:s16], [sflag:$0xC], $0x4000, $0x38;
	[tilespmem:$0x1C400] =	vst v63  }
0x45: {  	_ =	swait.ge [sflag:s22], $0x4000  }
0x46: {  	[sflag:s22] =	ssyncset.done $0x0  }
0x47: {  	s1 =	rddreg [dreg:$0x9];
	[sflag:s22] =	ssyncadd.s32 $0xFFFFC000  }
0x48: {  	[hbm4b:s1+s2] =	stream.linear.scatter [tilespmem:s13], [sflag:$0xD], $0x4000, $0x38;
	[tilespmem:$0x1C400] =	vst v63  }
0x49: {  	_ =	swait.ge [sflag:s18], $0x4000  }
0x4a: {  	[sflag:s18] =	ssyncset.done $0x0  }
0x4b: {  	s1 =	rddreg [dreg:$0xa];
	[sflag:s18] =	ssyncadd.s32 $0xFFFFC000  }
0x4c: {  	[hbm4b:s1+s2] =	stream.linear.scatter [tilespmem:s11], [sflag:$0xE], $0x4000, $0x38;
	[tilespmem:$0x1C400] =	vst v63  }
0x4d: {  	_ =	swait.ge [sflag:s7], $0x4000  }
0x4e: {  	[sflag:s7] =	ssyncset.done $0x0  }
0x4f: {  	s1 =	rddreg [dreg:$0xb];
	[sflag:s7] =	ssyncadd.s32 $0xFFFFC000  }
0x50: {  	[hbm4b:s1+s2] =	stream.linear.scatter [tilespmem:s5], [sflag:$0x8], $0x4000, $0x38;
	[tilespmem:$0x1C400] =	vst v63  }
0x51: {  	_ =	swait.ge [sflag:s15], $0x4000  }
0x52: {  	[sflag:s15] =	ssyncset.done $0x0  }
0x53: {  	[sflag:s15] =	ssyncadd.s32 $0xFFFFC000  }
0x54: {  	_ =	swait.ge [sflag:s14], $0x4000  }
0x55: {  	[sflag:s14] =	ssyncset.done $0x0  }
0x56: {  	[sflag:s14] =	ssyncadd.s32 $0xFFFFC000  }
0x57: {  	_ =	swait.ge [sflag:s12], $0x4000  }
0x58: {  	[sflag:s12] =	ssyncset.done $0x0  }
0x59: {  	[sflag:s12] =	ssyncadd.s32 $0xFFFFC000  }
0x5a: {  	_ =	swait.ge [sflag:s10], $0x4000  }
0x5b: {  	[sflag:s10] =	ssyncset.done $0x0  }
0x5c: {  	[sflag:s10] =	ssyncadd.s32 $0xFFFFC000  }
0x5d: {  	_ =	swait.ge [sflag:s8], $0x4000  }
0x5e: {  	[sflag:s8] =	ssyncset.done $0x0  }
0x5f: {  	p1 =	sne.s32 s29, $0x1;
	[sflag:s8] =	ssyncadd.s32 $0xFFFFC000  }
.Ltmp1:
0x60: {  	_ =	swait.ge [sflag:s6], $0x4000;
	(pc) =	sbr.rel @!p1 .LBB2_3-.Ltmp1, $4  }
0x61: {  	[sflag:s6] =	ssyncset.done $0x0  }
0x62: {  	[sflag:s6] =	ssyncadd.s32 $0xFFFFC000  }
0x63: {  	p0 =	por $0x1, $0x1;
	_ =	swait.ge [sflag:s4], $0x4000  }
0x64: {  	s0 =	sadd.s32 $0xFFFFFFFF, s29;
	s1 =	rddreg [dreg:$0x4];
	[sflag:s4] =	ssyncset.done $0x0  }
.LBB2_4:
0x65: {  	[sflag:s4] =	ssyncadd.s32 $0xFFFFC000  }
0x66: {  	[tilespmem:s2], [sflag:$0xF] =	stream.strided.gather [hbm4b:s1+s21], $0x400, s25, s21, $0x38;
	[tilespmem:$0x1C400] =	vst v63  }
0x67: {  	_ =	swait.ge [sflag:s30], $0x400  }
0x68: {  	[sflag:s30] =	ssyncset.done $0x0  }
0x69: {  	[sflag:s30] =	ssyncadd.s32 $0xFFFFFC00  }
0x6a: {  	[tilespmem:s5], [sflag:$0x1] =	stream.indirect.gather [hbm4b:s3+s21], $0x80, s2, s21, $0xb8;
	[tilespmem:$0x1C400] =	vst v63  }
0x6b: {  	_ = 	snop  }
0x6c: {  	[tilespmem:s20], [sflag:$0x2] =	stream.indirect.gather [hbm4b:s3+s21], $0x80, s21, s21, $0xb8;
	[tilespmem:$0x1C400] =	vst v63  }
0x6d: {  	s1 =	rddreg [dreg:$0xc]  }
0x6e: {  	[tilespmem:s19], [sflag:$0x3] =	stream.indirect.gather [hbm4b:s3+s21], $0x80, s1, s21, $0xb8;
	[tilespmem:$0x1C400] =	vst v63  }
0x6f: {  	s29 =	rddreg [dreg:$0xd]  }
0x70: {  	[tilespmem:s17], [sflag:$0x4] =	stream.indirect.gather [hbm4b:s3+s21], $0x80, s29, s21, $0xb8;
	[tilespmem:$0x1C400] =	vst v63  }
0x71: {  	_ = 	snop  }
0x72: {  	[tilespmem:s16], [sflag:$0x5] =	stream.indirect.gather [hbm4b:s3+s21], $0x80, s25, s21, $0xb8;
	[tilespmem:$0x1C400] =	vst v63  }
0x73: {  	s29 =	rddreg [dreg:$0xe]  }
0x74: {  	[tilespmem:s13], [sflag:$0x6] =	stream.indirect.gather [hbm4b:s3+s21], $0x80, s29, s21, $0xb8;
	[tilespmem:$0x1C400] =	vst v63  }
0x75: {  	s29 =	simm.s32 $0x300  }
0x76: {  	[tilespmem:s11], [sflag:$0x7] =	stream.indirect.gather [hbm4b:s3+s21], $0x80, s29, s21, $0xb8;
	[tilespmem:$0x1C400] =	vst v63  }
0x77: {  	_ =	swait.ge [sflag:s7], $0x4000  }
0x78: {  	[sflag:s7] =	ssyncset.done $0x0  }
0x79: {  	[sflag:s7] =	ssyncadd.s32 $0xFFFFC000  }
0x7a: {  	[hbm4b:s9+s2] =	stream.linear.scatter [tilespmem:s5], [sflag:$0x8], $0x4000, $0x38;
	[tilespmem:$0x1C400] =	vst v63  }
0x7b: {  	_ =	swait.ge [sflag:s4], $0x4000  }
0x7c: {  	[sflag:s4] =	ssyncset.done $0x0  }
0x7d: {  	[sflag:s4] =	ssyncadd.s32 $0xFFFFC000  }
0x7e: {  	[tilespmem:s5], [sflag:$0x1] =	stream.indirect.gather [hbm4b:s3+s21], $0x80, s31, s21, $0xb8;
	[tilespmem:$0x1C400] =	vst v63  }
0x7f: {  	_ =	swait.ge [sflag:s28], $0x4000  }
0x80: {  	[sflag:s28] =	ssyncset.done $0x0  }
0x81: {  	s29 =	rddreg [dreg:$0x5];
	[sflag:s28] =	ssyncadd.s32 $0xFFFFC000  }
0x82: {  	[hbm4b:s29+s2] =	stream.linear.scatter [tilespmem:s20], [sflag:$0x9], $0x4000, $0x38;
	[tilespmem:$0x1C400] =	vst v63  }
0x83: {  	_ =	swait.ge [sflag:s26], $0x4000  }
0x84: {  	[sflag:s26] =	ssyncset.done $0x0  }
0x85: {  	s29 =	rddreg [dreg:$0x6];
	[sflag:s26] =	ssyncadd.s32 $0xFFFFC000  }
0x86: {  	[hbm4b:s29+s2] =	stream.linear.scatter [tilespmem:s19], [sflag:$0xA], $0x4000, $0x38;
	[tilespmem:$0x1C400] =	vst v63  }
0x87: {  	_ =	swait.ge [sflag:s24], $0x4000  }
0x88: {  	[sflag:s24] =	ssyncset.done $0x0  }
0x89: {  	s29 =	rddreg [dreg:$0x7];
	[sflag:s24] =	ssyncadd.s32 $0xFFFFC000  }
0x8a: {  	[hbm4b:s29+s2] =	stream.linear.scatter [tilespmem:s17], [sflag:$0xB], $0x4000, $0x38;
	[tilespmem:$0x1C400] =	vst v63  }
0x8b: {  	_ =	swait.ge [sflag:s23], $0x4000  }
0x8c: {  	[sflag:s23] =	ssyncset.done $0x0  }
0x8d: {  	s29 =	rddreg [dreg:$0x8];
	[sflag:s23] =	ssyncadd.s32 $0xFFFFC000  }
0x8e: {  	[hbm4b:s29+s2] =	stream.linear.scatter [tilespmem:s16], [sflag:$0xC], $0x4000, $0x38;
	[tilespmem:$0x1C400] =	vst v63  }
0x8f: {  	_ =	swait.ge [sflag:s22], $0x4000  }
0x90: {  	[sflag:s22] =	ssyncset.done $0x0  }
0x91: {  	s29 =	rddreg [dreg:$0x9];
	[sflag:s22] =	ssyncadd.s32 $0xFFFFC000  }
0x92: {  	[hbm4b:s29+s2] =	stream.linear.scatter [tilespmem:s13], [sflag:$0xD], $0x4000, $0x38;
	[tilespmem:$0x1C400] =	vst v63  }
0x93: {  	_ =	swait.ge [sflag:s18], $0x4000  }
0x94: {  	[sflag:s18] =	ssyncset.done $0x0  }
0x95: {  	s29 =	rddreg [dreg:$0xa];
	[sflag:s18] =	ssyncadd.s32 $0xFFFFC000  }
0x96: {  	[hbm4b:s29+s2] =	stream.linear.scatter [tilespmem:s11], [sflag:$0xE], $0x4000, $0x38;
	[tilespmem:$0x1C400] =	vst v63  }
0x97: {  	_ =	swait.ge [sflag:s7], $0x4000  }
0x98: {  	[sflag:s7] =	ssyncset.done $0x0  }
0x99: {  	s29 =	rddreg [dreg:$0xb];
	[sflag:s7] =	ssyncadd.s32 $0xFFFFC000  }
0x9a: {  	[hbm4b:s29+s2] =	stream.linear.scatter [tilespmem:s5], [sflag:$0x8], $0x4000, $0x38;
	[tilespmem:$0x1C400] =	vst v63  }
0x9b: {  	_ =	swait.ge [sflag:s15], $0x4000  }
0x9c: {  	[sflag:s15] =	ssyncset.done $0x0  }
0x9d: {  	[sflag:s15] =	ssyncadd.s32 $0xFFFFC000  }
0x9e: {  	_ =	swait.ge [sflag:s14], $0x4000  }
0x9f: {  	[sflag:s14] =	ssyncset.done $0x0  }
0xa0: {  	[sflag:s14] =	ssyncadd.s32 $0xFFFFC000  }
0xa1: {  	_ =	swait.ge [sflag:s12], $0x4000  }
0xa2: {  	[sflag:s12] =	ssyncset.done $0x0  }
0xa3: {  	[sflag:s12] =	ssyncadd.s32 $0xFFFFC000  }
0xa4: {  	_ =	swait.ge [sflag:s10], $0x4000  }
0xa5: {  	[sflag:s10] =	ssyncset.done $0x0  }
0xa6: {  	[sflag:s10] =	ssyncadd.s32 $0xFFFFC000  }
0xa7: {  	_ =	swait.ge [sflag:s8], $0x4000  }
0xa8: {  	[sflag:s8] =	ssyncset.done $0x0  }
0xa9: {  	p1 =	sne.s32 s0, $0x1;
	[sflag:s8] =	ssyncadd.s32 $0xFFFFC000  }
.Ltmp2:
0xaa: {  	_ =	swait.ge [sflag:s6], $0x4000;
	(pc) =	sbr.rel @p1 .LBB2_4-.Ltmp2, $4  }
0xab: {  	[sflag:s6] =	ssyncset.done $0x0  }
0xac: {  	[sflag:s6] =	ssyncadd.s32 $0xFFFFC000  }
0xad: {  	_ =	swait.ge [sflag:s4], $0x4000  }
0xae: {  	s0 =	sadd.s32 $0xFFFFFFFF, s0;
	s1 =	rddreg [dreg:$0x4];
	[sflag:s4] =	ssyncset.done $0x0  }
0xaf: {  	s31 =	simm.s32 $0x300;
	s29 =	rddreg [dreg:$0x3]  }
.LBB2_6:
0xb0: {  	[sflag:s4] =	ssyncadd.s32 @p0 $0xFFFFC000  }
0xb1: {  	[tilespmem:s2], [sflag:$0xF] =	stream.strided.gather [hbm4b:s1+s21], $0x400, s25, s21, $0x38;
	[tilespmem:$0x1C400] =	vst v63  }
0xb2: {  	_ =	swait.ge [sflag:s30], $0x400  }
0xb3: {  	[sflag:s30] =	ssyncset.done $0x0  }
0xb4: {  	[sflag:s30] =	ssyncadd.s32 $0xFFFFFC00  }
0xb5: {  	[tilespmem:s5], [sflag:$0x1] =	stream.indirect.gather [hbm4b:s3+s21], $0x80, s2, s21, $0xb8;
	[tilespmem:$0x1C400] =	vst v63  }
0xb6: {  	_ = 	snop  }
0xb7: {  	[tilespmem:s20], [sflag:$0x2] =	stream.indirect.gather [hbm4b:s3+s21], $0x80, s21, s21, $0xb8;
	[tilespmem:$0x1C400] =	vst v63  }
0xb8: {  	s0 =	rddreg [dreg:$0xc]  }
0xb9: {  	[tilespmem:s19], [sflag:$0x3] =	stream.indirect.gather [hbm4b:s3+s21], $0x80, s0, s21, $0xb8;
	[tilespmem:$0x1C400] =	vst v63  }
0xba: {  	s30 =	rddreg [dreg:$0xd]  }
0xbb: {  	[tilespmem:s17], [sflag:$0x4] =	stream.indirect.gather [hbm4b:s3+s21], $0x80, s30, s21, $0xb8;
	[tilespmem:$0x1C400] =	vst v63  }
0xbc: {  	_ = 	snop  }
0xbd: {  	[tilespmem:s16], [sflag:$0x5] =	stream.indirect.gather [hbm4b:s3+s21], $0x80, s25, s21, $0xb8;
	[tilespmem:$0x1C400] =	vst v63  }
0xbe: {  	s30 =	rddreg [dreg:$0xe]  }
0xbf: {  	[tilespmem:s13], [sflag:$0x6] =	stream.indirect.gather [hbm4b:s3+s21], $0x80, s30, s21, $0xb8;
	[tilespmem:$0x1C400] =	vst v63  }
0xc0: {  	_ = 	snop  }
0xc1: {  	[tilespmem:s11], [sflag:$0x7] =	stream.indirect.gather [hbm4b:s3+s21], $0x80, s31, s21, $0xb8;
	[tilespmem:$0x1C400] =	vst v63  }
0xc2: {  	_ =	swait.ge [sflag:s7], $0x4000  }
0xc3: {  	[sflag:s7] =	ssyncset.done $0x0  }
0xc4: {  	[sflag:s7] =	ssyncadd.s32 $0xFFFFC000  }
0xc5: {  	[hbm4b:s9+s2] =	stream.linear.scatter [tilespmem:s5], [sflag:$0x8], $0x4000, $0x38;
	[tilespmem:$0x1C400] =	vst v63  }
0xc6: {  	_ =	swait.ge [sflag:s4], $0x4000  }
0xc7: {  	[sflag:s4] =	ssyncset.done $0x0  }
0xc8: {  	s1 =	simm.s32 $0x380;
	[sflag:s4] =	ssyncadd.s32 $0xFFFFC000  }
0xc9: {  	[tilespmem:s5], [sflag:$0x1] =	stream.indirect.gather [hbm4b:s3+s21], $0x80, s1, s21, $0xb8;
	[tilespmem:$0x1C400] =	vst v63  }
0xca: {  	_ =	swait.ge [sflag:s28], $0x4000  }
0xcb: {  	[sflag:s28] =	ssyncset.done $0x0  }
0xcc: {  	s9 =	rddreg [dreg:$0x5];
	[sflag:s28] =	ssyncadd.s32 $0xFFFFC000  }
0xcd: {  	[hbm4b:s9+s2] =	stream.linear.scatter [tilespmem:s20], [sflag:$0x9], $0x4000, $0x38;
	[tilespmem:$0x1C400] =	vst v63  }
0xce: {  	_ =	swait.ge [sflag:s26], $0x4000  }
0xcf: {  	[sflag:s26] =	ssyncset.done $0x0  }
0xd0: {  	s20 =	rddreg [dreg:$0x6];
	[sflag:s26] =	ssyncadd.s32 $0xFFFFC000  }
0xd1: {  	[hbm4b:s20+s2] =	stream.linear.scatter [tilespmem:s19], [sflag:$0xA], $0x4000, $0x38;
	[tilespmem:$0x1C400] =	vst v63  }
0xd2: {  	_ =	swait.ge [sflag:s24], $0x4000  }
0xd3: {  	[sflag:s24] =	ssyncset.done $0x0  }
0xd4: {  	s21 =	rddreg [dreg:$0x7];
	[sflag:s24] =	ssyncadd.s32 $0xFFFFC000  }
0xd5: {  	[hbm4b:s21+s2] =	stream.linear.scatter [tilespmem:s17], [sflag:$0xB], $0x4000, $0x38;
	[tilespmem:$0x1C400] =	vst v63  }
0xd6: {  	_ =	swait.ge [sflag:s23], $0x4000  }
0xd7: {  	[sflag:s23] =	ssyncset.done $0x0  }
0xd8: {  	s25 =	rddreg [dreg:$0x8];
	[sflag:s23] =	ssyncadd.s32 $0xFFFFC000  }
0xd9: {  	[hbm4b:s25+s2] =	stream.linear.scatter [tilespmem:s16], [sflag:$0xC], $0x4000, $0x38;
	[tilespmem:$0x1C400] =	vst v63  }
0xda: {  	_ =	swait.ge [sflag:s22], $0x4000  }
0xdb: {  	[sflag:s22] =	ssyncset.done $0x0  }
0xdc: {  	s26 =	rddreg [dreg:$0x9];
	[sflag:s22] =	ssyncadd.s32 $0xFFFFC000  }
0xdd: {  	[hbm4b:s26+s2] =	stream.linear.scatter [tilespmem:s13], [sflag:$0xD], $0x4000, $0x38;
	[tilespmem:$0x1C400] =	vst v63  }
0xde: {  	_ =	swait.ge [sflag:s18], $0x4000  }
0xdf: {  	[sflag:s18] =	ssyncset.done $0x0  }
0xe0: {  	s28 =	rddreg [dreg:$0xa];
	[sflag:s18] =	ssyncadd.s32 $0xFFFFC000  }
0xe1: {  	[hbm4b:s28+s2] =	stream.linear.scatter [tilespmem:s11], [sflag:$0xE], $0x4000, $0x38;
	[tilespmem:$0x1C400] =	vst v63  }
0xe2: {  	_ =	swait.ge [sflag:s7], $0x4000  }
0xe3: {  	[sflag:s7] =	ssyncset.done $0x0  }
0xe4: {  	s30 =	rddreg [dreg:$0xb];
	[sflag:s7] =	ssyncadd.s32 $0xFFFFC000  }
0xe5: {  	[hbm4b:s30+s2] =	stream.linear.scatter [tilespmem:s5], [sflag:$0x8], $0x4000, $0x38;
	[tilespmem:$0x1C400] =	vst v63  }
0xe6: {  	_ =	swait.ge [sflag:s15], $0x4000  }
0xe7: {  	[sflag:s15] =	ssyncset.done $0x0  }
0xe8: {  	[sflag:s15] =	ssyncadd.s32 $0xFFFFC000  }
0xe9: {  	_ =	swait.ge [sflag:s14], $0x4000  }
0xea: {  	[sflag:s14] =	ssyncset.done $0x0  }
0xeb: {  	[sflag:s14] =	ssyncadd.s32 $0xFFFFC000  }
0xec: {  	_ =	swait.ge [sflag:s12], $0x4000  }
0xed: {  	[sflag:s12] =	ssyncset.done $0x0  }
0xee: {  	[sflag:s12] =	ssyncadd.s32 $0xFFFFC000  }
0xef: {  	_ =	swait.ge [sflag:s10], $0x4000  }
0xf0: {  	[sflag:s10] =	ssyncset.done $0x0  }
0xf1: {  	[sflag:s10] =	ssyncadd.s32 $0xFFFFC000  }
0xf2: {  	_ =	swait.ge [sflag:s8], $0x4000  }
0xf3: {  	[sflag:s8] =	ssyncset.done $0x0  }
0xf4: {  	[sflag:s8] =	ssyncadd.s32 $0xFFFFC000  }
0xf5: {  	_ =	swait.ge [sflag:s6], $0x4000  }
0xf6: {  	[sflag:s6] =	ssyncset.done $0x0  }
0xf7: {  	[sflag:s6] =	ssyncadd.s32 $0xFFFFC000  }
0xf8: {  	_ =	swait.ge [sflag:s4], $0x4000  }
0xf9: {  	[sflag:s4] =	ssyncset.done $0x0  }
0xfa: {  	[sflag:s4] =	ssyncadd.s32 $0xFFFFC000  }
0xfb: {  	_ =	sfence.sel $0x180000  }
0xfc: {  	s31 =	stileid.u32;
	[bflag:$0x0] =	sbarrier.arrive $0xFFFF  }
0xfd: {  	p0 =	sne.s32 s31, $0x0;
	_ =	strace $0x90000047  }
0xfe: {  	s0 =	sadd.s32 @!p0 $0x100000, s29;
	[bflag:$0x2] =	sbarrier.arrive $0xFFFF  }
0xff: {  	[sflag:s0] =	ssyncadd.tile.s32 @!p0 $0x1;
	_ =	shalt  }
.LBB2_1:
.Ltmp3:
0x100: {  	(pc) =	sbr.rel .LBB2_6-.Ltmp3, $2  }
0x101: {  	_ =	sdelay $0x2  }
0x102: {  	s31 =	simm.s32 $0x300  }
.LBB2_3:
.Ltmp4:
0x103: {  	(pc) =	sbr.rel .LBB2_6-.Ltmp4, $2  }
0x104: {  	_ =	sdelay $0x2  }
0x105: {  	s31 =	simm.s32 $0x300;
	s29 =	rddreg [dreg:$0x3]  }
.Lfunc_end2:
_tile_overlayer_lowered:
.L_overlay_start_2:
0x106: {  	(tag) =	ssettag $0x2  }
0x107: {  	s0 =	rddreg [dreg:$0x0];
	s2 =	stileid.u32  }
0x108: {  	s1 =	rddreg [dreg:$0x1];
	p0 =	sne.s32 s2, $0x0  }
0x109: {  	s3 =	rddreg [dreg:$0x2];
	[bflag:$0x3] =	sbarrier.arrive $0xFFFF;
	s2 =	simm.s32 @!p0 $0x1C0F  }
0x10a: {  	[timem:s3], [sflag:s2] =	dma.local @!p0 [hbm:s0], s1  }
0x10b: {  	s0 =	simm.s32 @!p0 $0xF  }
0x10c: {  	_ =	swait.ge @!p0 [sflag:s0], s1  }
0x10d: {  	s1 =	ssub.s32 @!p0 $0x0, s1;
	[sflag:s0] =	ssyncset.done @!p0 $0x0  }
0x10e: {  	[sflag:s0] =	ssyncadd.s32 @!p0 s1  }
0x10f: {  	[bflag:$0x3] =	sbarrier.arrive $0xFFFF  }
0x110: {  	_ =	shalt  }

</sc_bundles>
